<compile_context>
chip_gen: v7x
topology: tpu7x:2x2x1
jax: 0.10.2.dev20260603
libtpu: 0.0.44.dev20260713+nightly
codegen_flags: <defaults>
</compile_context>

<pallas_src>
import functools

import jax
import jax.numpy as jnp
from jax import lax
from jax.experimental import pallas as pl
from jax.experimental.pallas import tpu as pltpu
from jax.experimental.pallas import tpu_sc as plsc

N = 100000
M = 800000
D = 64
M2 = M // 2

NW = 32
CHUNK = 800
NCHT = M2 // CHUNK
KMAX = (NCHT + NW - 1) // NW

BH = 3200
NTB = M2 // BH

_mesh = plsc.VectorSubcoreMesh(core_axis_name="c", subcore_axis_name="s")


@functools.partial(
    pl.kernel,
    mesh=_mesh,
    out_type=jax.ShapeDtypeStruct((M2, 2 * D), jnp.float32),
    scratch_types=[
        pltpu.VMEM((CHUNK,), jnp.int32),
        pltpu.VMEM((CHUNK,), jnp.int32),
        pltpu.VMEM((CHUNK, D), jnp.float32),
        pltpu.VMEM((CHUNK, D), jnp.float32),
        pltpu.SemaphoreType.DMA,
        pltpu.SemaphoreType.DMA,
    ],
    compiler_params=pltpu.CompilerParams(use_tc_tiling_on_sc=False),
)
def _sc_gather(feats_hbm, idx_hbm, out_hbm, idxl_v, idxr_v, rowsl_v, rowsr_v, seml, semr):
    c = lax.axis_index("c")
    s = lax.axis_index("s")
    wid = s * 2 + c

    def body(k, _):
        t = wid + NW * k

        @pl.when(t < NCHT)
        def _():
            off = pl.multiple_of(t * CHUNK, 8)
            pltpu.sync_copy(idx_hbm.at[pl.ds(off, CHUNK)], idxl_v)
            pltpu.sync_copy(idx_hbm.at[pl.ds(M2 + off, CHUNK)], idxr_v)
            hl = pltpu.async_copy(feats_hbm.at[idxl_v], rowsl_v, seml)
            hr = pltpu.async_copy(feats_hbm.at[idxr_v], rowsr_v, semr)
            hl.wait()
            pltpu.sync_copy(rowsl_v, out_hbm.at[pl.ds(off, CHUNK), pl.ds(0, D)])
            hr.wait()
            pltpu.sync_copy(rowsr_v, out_hbm.at[pl.ds(off, CHUNK), pl.ds(D, D)])

        return 0

    lax.fori_loop(0, KMAX, body, 0)


def _tr_body(x_ref, o_ref):
    j = pl.program_id(1)
    a = x_ref[...]

    @pl.when(j == 0)
    def _():
        o_ref[...] = a[:, :D].T

    @pl.when(j == 1)
    def _():
        o_ref[...] = a[:, D:].T


_tc_transpose = pl.pallas_call(
    _tr_body,
    grid=(NTB, 2),
    in_specs=[pl.BlockSpec((BH, 2 * D), lambda i, j: (i, 0))],
    out_specs=pl.BlockSpec((D, BH), lambda i, j: (0, j * NTB + i)),
    out_shape=jax.ShapeDtypeStruct((D, M), jnp.float32),
)


def kernel(feats, idx):
    x128 = _sc_gather(feats, idx.astype(jnp.int32))
    return _tc_transpose(x128).T

# --- scband reference (transcript-rebuilt; emitter-appended) ---
"""Pipeline reference for scband-sparse-upsample-85650237817619 (READ-ONLY COPY).

The authoritative reference and input builder live on the scoring server;
editing this copy changes nothing except your own understanding.
"""

import jax, jax.numpy as jnp
import numpy as np

N = 100000
M = 800000
D = 64

def setup_inputs(seed: int = 0) -> dict:
    key = jax.random.key(seed)
    k1, k2 = jax.random.split(key)
    feats = jax.random.normal(k1, (N, D), dtype=jnp.float32)
    idx = jax.random.randint(k2, (M,), 0, N, dtype=jnp.int64)
    return {"feats": feats, "idx": idx}

def reference(feats, idx):
    # SparseUpsample forward: nearest-neighbor upsample of a sparse tensor.
    # The cached `idx` maps each upsampled (child) voxel to its source (parent)
    # voxel; the core computation is new_feats = input.feats[idx].
    new_feats = jnp.take(feats, idx, axis=0)
    return new_feats

if __name__ == "__main__":
    import jax
    _d = setup_inputs()
    print(jax.jit(kernel)(*tuple(_d.values())))

</pallas_src>

<mosaic_0001>
#map = affine_map<(d0, d1) -> (0, 0)>
#map1 = affine_map<(d0, d1) -> (0)>
module attributes {stable_mosaic.version = 14 : i64} {
  func.func @_sc_gather(%arg0: i32, %arg1: i32, %arg2: memref<100000x64xf32, #tpu.memory_space<hbm>>, %arg3: memref<800000xi32, #tpu.memory_space<hbm>>, %arg4: memref<400000x128xf32, #tpu.memory_space<hbm>>, %arg5: memref<800xi32, #tpu.memory_space<vmem>>, %arg6: memref<800xi32, #tpu.memory_space<vmem>>, %arg7: memref<800x64xf32, #tpu.memory_space<vmem>>, %arg8: memref<800x64xf32, #tpu.memory_space<vmem>>, %arg9: memref<!tpu.dma_semaphore, #tpu.memory_space<semaphore_mem>>, %arg10: memref<!tpu.dma_semaphore, #tpu.memory_space<semaphore_mem>>) attributes {dimension_semantics = [#tpu.dimension_semantics<core_parallel>, #tpu.dimension_semantics<subcore_parallel>], iteration_bounds = array<i64: 2, 16>, scalar_prefetch = 0 : i64, scratch_operands = 6 : i64, tpu.core_type = #tpu.core_type<sc_vector_subcore>, window_params = [{transform_indices = #map}, {transform_indices = #map1}, {transform_indices = #map}]} {
    %mul3A = arith.constant 2 : i32
    %mul3A_0 = arith.muli %arg1, %mul3A : i32
    %add3A = arith.addi %mul3A_0, %arg0 : i32
    %scan3A = arith.constant 0 : i32
    %scan3A_1 = arith.constant 0 : i32
    %scan3A_2 = arith.constant 16 : i32
    %scan3A_3 = arith.addi %scan3A_1, %scan3A_2 : i32
    %scan3A_4 = arith.constant 1 : i32
    %scan3A_5 = scf.for %scan3A_7 = %scan3A_1 to %scan3A_3 step %scan3A_4 iter_args(%scan3A_8 = %scan3A) -> (i32)  : i32 {
      %mul3A_9 = arith.constant 32 : i32
      %mul3A_10 = arith.muli %mul3A_9, %scan3A_7 : i32
      %add3A_11 = arith.addi %add3A, %mul3A_10 : i32
      %lt3A = arith.constant 500 : i32
      %lt3A_12 = arith.cmpi slt, %add3A_11, %lt3A : i32
      %convert_element_type3A = arith.extui %lt3A_12 : i1 to i32
      %cond3A = arith.constant 0 : i32
      %cond3A_13 = arith.cmpi ne, %convert_element_type3A, %cond3A : i32
      scf.if %cond3A_13 {
        %mul3A_15 = arith.constant 800 : i32
        %mul3A_16 = arith.muli %add3A_11, %mul3A_15 : i32
        %multiple_of3A = tpu.assume_multiple %mul3A_16, 8 : i32
        "tpu.region"() ({
          %run_scoped3A = tpu.sem_alloc : memref<!tpu.dma_semaphore, #tpu.memory_space<semaphore_mem>>
          %dma_start3A_29 = tpu.memref_slice %arg3[%multiple_of3A] : memref<800000xi32, #tpu.memory_space<hbm>> -> memref<800xi32, #tpu.memory_space<hbm>>
          %dma_start3A_30 = tpu.memref_slice %arg3[%multiple_of3A] : memref<800000xi32, #tpu.memory_space<hbm>> -> memref<800xi32, #tpu.memory_space<hbm>>
          tpu.enqueue_dma source(%dma_start3A_30 : memref<800xi32, #tpu.memory_space<hbm>>) target(%arg5 : memref<800xi32, #tpu.memory_space<vmem>>) target_semaphore(%run_scoped3A : memref<!tpu.dma_semaphore, #tpu.memory_space<semaphore_mem>>)
          %dma_wait3A_31 = tpu.memref_slice %arg3[%multiple_of3A] : memref<800000xi32, #tpu.memory_space<hbm>> -> memref<800xi32, #tpu.memory_space<hbm>>
          %dma_wait3A_32 = tpu.memref_slice %arg3[%multiple_of3A] : memref<800000xi32, #tpu.memory_space<hbm>> -> memref<800xi32, #tpu.memory_space<hbm>>
          tpu.wait_dma2 semaphore(%run_scoped3A : memref<!tpu.dma_semaphore, #tpu.memory_space<semaphore_mem>>) src(%dma_wait3A_32 : memref<800xi32, #tpu.memory_space<hbm>>) dst(%arg5 : memref<800xi32, #tpu.memory_space<vmem>>)
          tpu.yield
        }) : () -> ()
        %add3A_17 = arith.constant 400000 : i32
        %add3A_18 = arith.addi %add3A_17, %multiple_of3A : i32
        "tpu.region"() ({
          %run_scoped3A = tpu.sem_alloc : memref<!tpu.dma_semaphore, #tpu.memory_space<semaphore_mem>>
          %dma_start3A_29 = tpu.memref_slice %arg3[%add3A_18] : memref<800000xi32, #tpu.memory_space<hbm>> -> memref<800xi32, #tpu.memory_space<hbm>>
          %dma_start3A_30 = tpu.memref_slice %arg3[%add3A_18] : memref<800000xi32, #tpu.memory_space<hbm>> -> memref<800xi32, #tpu.memory_space<hbm>>
          tpu.enqueue_dma source(%dma_start3A_30 : memref<800xi32, #tpu.memory_space<hbm>>) target(%arg6 : memref<800xi32, #tpu.memory_space<vmem>>) target_semaphore(%run_scoped3A : memref<!tpu.dma_semaphore, #tpu.memory_space<semaphore_mem>>)
          %dma_wait3A_31 = tpu.memref_slice %arg3[%add3A_18] : memref<800000xi32, #tpu.memory_space<hbm>> -> memref<800xi32, #tpu.memory_space<hbm>>
          %dma_wait3A_32 = tpu.memref_slice %arg3[%add3A_18] : memref<800000xi32, #tpu.memory_space<hbm>> -> memref<800xi32, #tpu.memory_space<hbm>>
          tpu.wait_dma2 semaphore(%run_scoped3A : memref<!tpu.dma_semaphore, #tpu.memory_space<semaphore_mem>>) src(%dma_wait3A_32 : memref<800xi32, #tpu.memory_space<hbm>>) dst(%arg6 : memref<800xi32, #tpu.memory_space<vmem>>)
          tpu.yield
        }) : () -> ()
        %dma_start3A = arith.constant 0 : i32
        %dma_start3A_19 = arith.constant 0 : i32
        %dma_start3A_20 = tpu.memref_slice %arg2[%dma_start3A, %dma_start3A_19] : memref<100000x64xf32, #tpu.memory_space<hbm>> -> memref<100000x64xf32, #tpu.memory_space<hbm>>
        tpu.enqueue_indirect_dma source(%dma_start3A_20 : memref<100000x64xf32, #tpu.memory_space<hbm>>) target(%arg7 : memref<800x64xf32, #tpu.memory_space<vmem>>) offsets(%arg5 : memref<800xi32, #tpu.memory_space<vmem>>) semaphore(%arg9 : memref<!tpu.dma_semaphore, #tpu.memory_space<semaphore_mem>>)
        %dma_start3A_21 = arith.constant 0 : i32
        %dma_start3A_22 = arith.constant 0 : i32
        %dma_start3A_23 = tpu.memref_slice %arg2[%dma_start3A_21, %dma_start3A_22] : memref<100000x64xf32, #tpu.memory_space<hbm>> -> memref<100000x64xf32, #tpu.memory_space<hbm>>
        tpu.enqueue_indirect_dma source(%dma_start3A_23 : memref<100000x64xf32, #tpu.memory_space<hbm>>) target(%arg8 : memref<800x64xf32, #tpu.memory_space<vmem>>) offsets(%arg6 : memref<800xi32, #tpu.memory_space<vmem>>) semaphore(%arg10 : memref<!tpu.dma_semaphore, #tpu.memory_space<semaphore_mem>>)
        %dma_wait3A = arith.constant 0 : i32
        %dma_wait3A_24 = arith.constant 0 : i32
        %dma_wait3A_25 = tpu.memref_slice %arg2[%dma_wait3A, %dma_wait3A_24] : memref<100000x64xf32, #tpu.memory_space<hbm>> -> memref<100000x64xf32, #tpu.memory_space<hbm>>
        tpu.wait_indirect_dma semaphore(%arg9 : memref<!tpu.dma_semaphore, #tpu.memory_space<semaphore_mem>>) src(%dma_wait3A_25 : memref<100000x64xf32, #tpu.memory_space<hbm>>) dst(%arg7 : memref<800x64xf32, #tpu.memory_space<vmem>>)
        "tpu.region"() ({
          %run_scoped3A = tpu.sem_alloc : memref<!tpu.dma_semaphore, #tpu.memory_space<semaphore_mem>>
          %dma_start3A_29 = arith.constant 0 : i32
          %dma_start3A_30 = tpu.memref_slice %arg4[%multiple_of3A, %dma_start3A_29] : memref<400000x128xf32, #tpu.memory_space<hbm>> -> memref<800x64xf32, #tpu.memory_space<hbm>>
          %dma_start3A_31 = arith.constant 0 : i32
          %dma_start3A_32 = tpu.memref_slice %arg4[%multiple_of3A, %dma_start3A_31] : memref<400000x128xf32, #tpu.memory_space<hbm>> -> memref<800x64xf32, #tpu.memory_space<hbm>>
          tpu.enqueue_dma source(%arg7 : memref<800x64xf32, #tpu.memory_space<vmem>>) target(%dma_start3A_32 : memref<800x64xf32, #tpu.memory_space<hbm>>) target_semaphore(%run_scoped3A : memref<!tpu.dma_semaphore, #tpu.memory_space<semaphore_mem>>)
          %dma_wait3A_33 = arith.constant 0 : i32
          %dma_wait3A_34 = tpu.memref_slice %arg4[%multiple_of3A, %dma_wait3A_33] : memref<400000x128xf32, #tpu.memory_space<hbm>> -> memref<800x64xf32, #tpu.memory_space<hbm>>
          %dma_wait3A_35 = arith.constant 0 : i32
          %dma_wait3A_36 = tpu.memref_slice %arg4[%multiple_of3A, %dma_wait3A_35] : memref<400000x128xf32, #tpu.memory_space<hbm>> -> memref<800x64xf32, #tpu.memory_space<hbm>>
          tpu.wait_dma2 semaphore(%run_scoped3A : memref<!tpu.dma_semaphore, #tpu.memory_space<semaphore_mem>>) src(%arg7 : memref<800x64xf32, #tpu.memory_space<vmem>>) dst(%dma_wait3A_36 : memref<800x64xf32, #tpu.memory_space<hbm>>)
          tpu.yield
        }) : () -> ()
        %dma_wait3A_26 = arith.constant 0 : i32
        %dma_wait3A_27 = arith.constant 0 : i32
        %dma_wait3A_28 = tpu.memref_slice %arg2[%dma_wait3A_26, %dma_wait3A_27] : memref<100000x64xf32, #tpu.memory_space<hbm>> -> memref<100000x64xf32, #tpu.memory_space<hbm>>
        tpu.wait_indirect_dma semaphore(%arg10 : memref<!tpu.dma_semaphore, #tpu.memory_space<semaphore_mem>>) src(%dma_wait3A_28 : memref<100000x64xf32, #tpu.memory_space<hbm>>) dst(%arg8 : memref<800x64xf32, #tpu.memory_space<vmem>>)
        "tpu.region"() ({
          %run_scoped3A = tpu.sem_alloc : memref<!tpu.dma_semaphore, #tpu.memory_space<semaphore_mem>>
          %dma_start3A_29 = arith.constant 64 : i32
          %dma_start3A_30 = tpu.memref_slice %arg4[%multiple_of3A, %dma_start3A_29] : memref<400000x128xf32, #tpu.memory_space<hbm>> -> memref<800x64xf32, #tpu.memory_space<hbm>>
          %dma_start3A_31 = arith.constant 64 : i32
          %dma_start3A_32 = tpu.memref_slice %arg4[%multiple_of3A, %dma_start3A_31] : memref<400000x128xf32, #tpu.memory_space<hbm>> -> memref<800x64xf32, #tpu.memory_space<hbm>>
          tpu.enqueue_dma source(%arg8 : memref<800x64xf32, #tpu.memory_space<vmem>>) target(%dma_start3A_32 : memref<800x64xf32, #tpu.memory_space<hbm>>) target_semaphore(%run_scoped3A : memref<!tpu.dma_semaphore, #tpu.memory_space<semaphore_mem>>)
          %dma_wait3A_33 = arith.constant 64 : i32
          %dma_wait3A_34 = tpu.memref_slice %arg4[%multiple_of3A, %dma_wait3A_33] : memref<400000x128xf32, #tpu.memory_space<hbm>> -> memref<800x64xf32, #tpu.memory_space<hbm>>
          %dma_wait3A_35 = arith.constant 64 : i32
          %dma_wait3A_36 = tpu.memref_slice %arg4[%multiple_of3A, %dma_wait3A_35] : memref<400000x128xf32, #tpu.memory_space<hbm>> -> memref<800x64xf32, #tpu.memory_space<hbm>>
          tpu.wait_dma2 semaphore(%run_scoped3A : memref<!tpu.dma_semaphore, #tpu.memory_space<semaphore_mem>>) src(%arg8 : memref<800x64xf32, #tpu.memory_space<vmem>>) dst(%dma_wait3A_36 : memref<800x64xf32, #tpu.memory_space<hbm>>)
          tpu.yield
        }) : () -> ()
      } else {
      }
      %scan3A_14 = arith.constant 0 : i32
      scf.yield %scan3A_14 : i32
    }
    %scan3A_6 = arith.constant 16 : i32
    return
  }
}

module attributes {stable_mosaic.version = 14 : i64} {
  func.func @_tr_body(%arg0: i32, %arg1: i32, %arg2: memref<3200x128xf32, #tpu.memory_space<vmem>>, %arg3: memref<64x3200xf32, #tpu.memory_space<vmem>>) attributes {dimension_semantics = [#tpu.dimension_semantics<arbitrary>, #tpu.dimension_semantics<arbitrary>], iteration_bounds = array<i64: 125, 2>, scalar_prefetch = 0 : i64, scratch_operands = 0 : i64, tpu.core_type = #tpu.core_type<tc>, window_params = [{transform_indices = @transform_0, window_bounds = array<i64: 3200, 128>}, {transform_indices = @transform_1, window_bounds = array<i64: 64, 3200>}]} {
    %get3A = arith.constant 0 : index
    %get3A_0 = arith.constant 0 : index
    %get3A_1 = vector.load %arg2[%get3A, %get3A_0] : memref<3200x128xf32, #tpu.memory_space<vmem>>, vector<3200x128xf32>
    %eq3A = arith.constant 0 : i32
    %eq3A_2 = arith.cmpi eq, %arg1, %eq3A : i32
    %convert_element_type3A = arith.extui %eq3A_2 : i1 to i32
    %cond3A = arith.constant 0 : i32
    %cond3A_3 = arith.cmpi ne, %convert_element_type3A, %cond3A : i32
    scf.if %cond3A_3 {
      %slice3A = vector.extract_strided_slice %get3A_1 {offsets = [0, 0], sizes = [3200, 64], strides = [1, 1]} : vector<3200x128xf32> to vector<3200x64xf32>
      %transpose3A = tpu.transpose %slice3A, [1, 0] : vector<3200x64xf32> -> vector<64x3200xf32>
      %swap3A = arith.constant 0 : index
      %swap3A_9 = arith.constant 0 : index
      %swap3A_10 = vector.load %arg3[%swap3A, %swap3A_9] : memref<64x3200xf32, #tpu.memory_space<vmem>>, vector<64x3200xf32>
      tpu.vector_store %arg3[%swap3A, %swap3A_9], %transpose3A {strides = array<i32>} : memref<64x3200xf32, #tpu.memory_space<vmem>>, vector<64x3200xf32>,
    } else {
    }
    %eq3A_4 = arith.constant 1 : i32
    %eq3A_5 = arith.cmpi eq, %arg1, %eq3A_4 : i32
    %convert_element_type3A_6 = arith.extui %eq3A_5 : i1 to i32
    %cond3A_7 = arith.constant 0 : i32
    %cond3A_8 = arith.cmpi ne, %convert_element_type3A_6, %cond3A_7 : i32
    scf.if %cond3A_8 {
      %slice3A = vector.extract_strided_slice %get3A_1 {offsets = [0, 64], sizes = [3200, 64], strides = [1, 1]} : vector<3200x128xf32> to vector<3200x64xf32>
      %transpose3A = tpu.transpose %slice3A, [1, 0] : vector<3200x64xf32> -> vector<64x3200xf32>
      %swap3A = arith.constant 0 : index
      %swap3A_9 = arith.constant 0 : index
      %swap3A_10 = vector.load %arg3[%swap3A, %swap3A_9] : memref<64x3200xf32, #tpu.memory_space<vmem>>, vector<64x3200xf32>
      tpu.vector_store %arg3[%swap3A, %swap3A_9], %transpose3A {strides = array<i32>} : memref<64x3200xf32, #tpu.memory_space<vmem>>, vector<64x3200xf32>,
    } else {
    }
    return
  }
  func.func @transform_0(%arg0: i32, %arg1: i32) -> (i32, i32) {
    %c0_i32 = arith.constant 0 : i32
    %c0_i32_0 = arith.constant 0 : i32
    return %arg0, %c0_i32 : i32, i32
  }
  func.func @transform_1(%arg0: i32, %arg1: i32) -> (i32, i32) {
    %mul3A = arith.constant 125 : i32
    %mul3A_0 = arith.muli %arg1, %mul3A : i32
    %add3A = arith.addi %mul3A_0, %arg0 : i32
    %c0_i32 = arith.constant 0 : i32
    %c0_i32_1 = arith.constant 0 : i32
    return %c0_i32, %add3A : i32, i32
  }
}

</mosaic_0001>

<sc_bundles>
// kernel: kernel.4.cloned.1.call-start
scs
__scs_entry_jumppad:
0x0: {  	(pc) =	sbr.rel $0x88, $3  }
0x1: {  	(tag) =	ssettag $0x0;
	lr =	simm.s32 $0x1  }
0x2: {  	[smem:$0x3F9F] =	sst lr;
	_ =	strace $0xD0000000  }
0x3: {  	_ = 	snop  }
0x4: {  	_ = 	snop  }
0x5: {  	_ = 	snop  }
0x6: {  	_ = 	snop  }
0x7: {  	_ = 	snop  }
__scs_overlays_trampoline_lowered:
0x8: {  	[smem:$0x3FAE] =	sst s0  }
0x9: {  	[smem:$0x3FAF] =	sst s1  }
0xa: {  	[smem:$0x3FB0] =	sst s2  }
0xb: {  	[smem:$0x3FB1] =	sst s3  }
0xc: {  	[smem:$0x3FB2] =	sst s4  }
0xd: {  	[smem:$0x3FB3] =	sst s5  }
0xe: {  	[smem:$0x3FB4] =	sst s6  }
0xf: {  	[smem:$0x3FB5] =	sst s7  }
0x10: {  	[smem:$0x3FB6] =	sst s8  }
0x11: {  	[smem:$0x3FB7] =	sst s9;
	s0 =	simm.s32 @!p0 $0x0  }
0x12: {  	s1 =	sld [smem:$0x3F9D];
	s0 =	simm.s32 @p0 $0x1  }
0x13: {  	[smem:$0x3FB8] =	sst s0;
	s0 =	simm.s32 @!p1 $0x0  }
0x14: {  	s2 =	sld [smem:$0x3F9C];
	s0 =	simm.s32 @p1 $0x1  }
0x15: {  	[smem:$0x3FB9] =	sst s0;
	s0 =	simm.s32 @!p2 $0x0  }
0x16: {  	s3 =	sld [smem:$0x3FDB];
	s0 =	simm.s32 @p2 $0x1  }
0x17: {  	s4 =	simm.s32 $0x1BF5;
	[smem:$0x3FBB] =	sst s0  }
0x18: {  	s0 =	sld [smem:$0x3F9E];
	_ =	swait.ge [sflag:s4], $0x0  }
0x19: {  	s7 =	sld [smem:$0x3F9F]  }
0x1a: {  	s8 =	sadd.s32 $0xFFFFE003, lr  }
0x1b: {  	s9 =	sadd.s32 $0xFFFFFEF7, lr;
	s5 =	simm.s32 $0xFFFFFFFF;
	p2 =	slt.u32 s8, $0xFFFFF086  }
0x1c: {  	p1 =	slt.u32 s9, $0xF7A;
	s5 =	simm.s32 @!p2 $0x0  }
0x1d: {  	s5 =	simm.s32 @p1 $0x1;
	p0 =	seq.s32 s7, s2  }
0x1e: {  	s7 =	smul.u32 @!p0 $0xF7A, s2;
	p2 =	seq.s32 @!p0 s5, $0x0  }
0x1f: {  	s9 =	smul.u32 $0xF7A, s1;
	s8 =	simm.s32 @!p0 $0x1BF5;
	p2 =	por !p2, p0  }
0x20: {  	[sflag:s8] =	ssyncset.s32 @!p0 $0xFFFFF086;
	s6 =	sadd.s32 @!p0 s3, s7;
	s7 =	simm.s32 @!p0 $0x108  }
0x21: {  	s3 =	sadd.s32 s3, s9;
	s6 =	sadd.s32 @!p0 $0x88, s6;
	s7 =	simm.s32 @p2 $0x1082  }
0x22: {  	[simem:s7], [sflag:s8] =	dma.local @!p0 [hbm:s6], $0xF7A  }
0x23: {  	s9 =	sor.u32 $0xD0000000, s2;
	s6 =	simm.s32 $0x108;
	_ =	swait.ge @!p0 [sflag:s8], $0x0  }
0x24: {  	s3 =	sadd.s32 $0x88, s3;
	s6 =	simm.s32 @!p1 $0x1082;
	[sflag:s4] =	ssyncset.s32 $0xFFFFF086  }
0x25: {  	[simem:s6], [sflag:s4] =	dma.local [hbm:s3], $0xF7A  }
0x26: {  	[smem:$0x3F9F] =	sst s1;
	(tag) =	ssettag s2;
	_ =	strace s9  }
0x27: {  	s1 =	sld [smem:$0x3FAF]  }
0x28: {  	s2 =	sld [smem:$0x3FB0]  }
0x29: {  	s4 =	sld [smem:$0x3FB2]  }
0x2a: {  	p0 =	seq.s32 s5, $0x0;
	s5 =	sld [smem:$0x3FB3]  }
0x2b: {  	s6 =	sld [smem:$0x3FB4]  }
0x2c: {  	s7 =	sld [smem:$0x3FB5]  }
0x2d: {  	s3 =	simm.s32 $0x108;
	s8 =	sld [smem:$0x3FB6]  }
0x2e: {  	s3 =	simm.s32 @!p0 $0x1082;
	s9 =	sld [smem:$0x3FB7]  }
0x2f: {  	lr =	sadd.s32 s0, s3;
	s0 =	sld [smem:$0x3FAE]  }
0x30: {  	s3 =	sld [smem:$0x3FB1]  }
0x31: {  	[smem:$0x3FBA] =	sst s10  }
0x32: {  	s10 =	sld [smem:$0x3FB8];
	_ =	sdelay $0x3  }
0x33: {  	p0 =	seq.s32 s10, $0x1;
	s10 =	sld [smem:$0x3FBA];
	_ =	sdelay $0x3  }
0x34: {  	[smem:$0x3FBA] =	sst s10  }
0x35: {  	s10 =	sld [smem:$0x3FB9];
	_ =	sdelay $0x3  }
0x36: {  	p1 =	seq.s32 s10, $0x1;
	s10 =	sld [smem:$0x3FBA];
	_ =	sdelay $0x3  }
0x37: {  	[smem:$0x3FBA] =	sst s10  }
0x38: {  	s10 =	sld [smem:$0x3FBB]  }
0x39: {  	_ = 	snop;
	(pc) =	sbr.ind lr, $3  }
0x3a: {  	_ = 	snop  }
0x3b: {  	_ = 	snop  }
0x3c: {  	p2 =	seq.s32 s10, $0x1;
	s10 =	sld [smem:$0x3FBA]  }
0x3d: {  	_ =	shalt  }
0x3e: {  	_ =	shalt  }
0x3f: {  	_ =	shalt  }
0x40: {  	_ =	shalt  }
0x41: {  	_ =	shalt  }
0x42: {  	_ =	shalt  }
0x43: {  	_ =	shalt  }
0x44: {  	_ =	shalt  }
0x45: {  	_ =	shalt  }
0x46: {  	_ =	shalt  }
0x47: {  	_ =	shalt  }
0x48: {  	_ =	shalt  }
0x49: {  	_ =	shalt  }
0x4a: {  	_ =	shalt  }
0x4b: {  	_ =	shalt  }
0x4c: {  	_ =	shalt  }
0x4d: {  	_ =	shalt  }
0x4e: {  	_ =	shalt  }
0x4f: {  	_ =	shalt  }
0x50: {  	_ =	shalt  }
0x51: {  	_ =	shalt  }
0x52: {  	_ =	shalt  }
0x53: {  	_ =	shalt  }
0x54: {  	_ =	shalt  }
0x55: {  	_ =	shalt  }
0x56: {  	_ =	shalt  }
0x57: {  	_ =	shalt  }
0x58: {  	_ =	shalt  }
0x59: {  	_ =	shalt  }
0x5a: {  	_ =	shalt  }
0x5b: {  	_ =	shalt  }
0x5c: {  	_ =	shalt  }
0x5d: {  	_ =	shalt  }
0x5e: {  	_ =	shalt  }
0x5f: {  	_ =	shalt  }
0x60: {  	_ =	shalt  }
0x61: {  	_ =	shalt  }
0x62: {  	_ =	shalt  }
0x63: {  	_ =	shalt  }
0x64: {  	_ =	shalt  }
0x65: {  	_ =	shalt  }
0x66: {  	_ =	shalt  }
0x67: {  	_ =	shalt  }
0x68: {  	_ =	shalt  }
0x69: {  	_ =	shalt  }
0x6a: {  	_ =	shalt  }
0x6b: {  	_ =	shalt  }
0x6c: {  	_ =	shalt  }
0x6d: {  	_ =	shalt  }
0x6e: {  	_ =	shalt  }
0x6f: {  	_ =	shalt  }
0x70: {  	_ =	shalt  }
0x71: {  	_ =	shalt  }
0x72: {  	_ =	shalt  }
0x73: {  	_ =	shalt  }
0x74: {  	_ =	shalt  }
0x75: {  	_ =	shalt  }
0x76: {  	_ =	shalt  }
0x77: {  	_ =	shalt  }
0x78: {  	_ =	shalt  }
0x79: {  	_ =	shalt  }
0x7a: {  	_ =	shalt  }
0x7b: {  	_ =	shalt  }
0x7c: {  	_ =	shalt  }
0x7d: {  	_ =	shalt  }
0x7e: {  	_ =	shalt  }
0x7f: {  	_ =	shalt  }
0x80: {  	_ =	shalt  }
0x81: {  	_ =	shalt  }
0x82: {  	_ =	shalt  }
0x83: {  	_ =	shalt  }
0x84: {  	_ =	shalt  }
0x85: {  	_ =	shalt  }
0x86: {  	_ =	shalt  }
0x87: {  	_ =	shalt  }
.Lfunc_end0:
.L_simem_size_0:
called_computation_lowered:
.L_overlay_start_0:
0x88: {  	s2 =	sld [smem:$0x3FD9]  }
0x89: {  	s3 =	sld [smem:$0x3FFE];
	_ =	sdelay $0x1  }
0x8a: {  	s1 =	srdreg.scid  }
0x8b: {  	s0 =	sand.u32 $0x1, s1  }
0x8c: {  	s17 =	sshll.u32 s0, $0xA;
	s2 =	sadd.s32 s3, s2  }
0x8d: {  	s2 =	sadd.s32 s2, s17  }
0x8e: {  	[smem:$0x3FC6] =	sst s2  }
0x8f: {  	_ = 	snop  }
0x90: {  	s2 =	sld [smem:$0x3FC8];
	(tm) =	ssettm $0x1  }
0x91: {  	s18 =	sld [smem:$0x3FFB];
	_ =	sdelay $0x3  }
0x92: {  	_ =	strace s18  }
0x93: {  	s3 =	sld [smem:$0x3FFC];
	_ =	sdelay $0x3  }
0x94: {  	_ =	strace s3  }
0x95: {  	s3 =	sld [smem:$0x3FFD];
	_ =	sdelay $0x3  }
0x96: {  	_ =	strace s3  }
0x97: {  	_ =	strace $0x8FFFFFFF  }
0x98: {  	s19 =	sld [smem:$0x3FDB];
	_ =	sdelay $0x1  }
0x99: {  	s4 =	simm.s32 $_scs_section_size  }
0x9a: {  	s5 =	simm.s32 $_size__tile_overlayer_lowered;
	s6 =	simm.s32 $_tile_overlayer_lowered  }
0x9b: {  	s22 =	simm.s32 $0x1BFF;
	s21 =	sshll.u32 s6, $0x1;
	s3 =	sadd.s32 s4, s19  }
0x9c: {  	s7 =	simm.s32 $0x0;
	s20 =	sshll.u32 s5, $0x1;
	s5 =	sadd.s32 s21, s3  }
0x9d: {  	[timem:s7], [sflag:s22] =	dma.local [hbm:s5], s20  }
0x9e: {  	_ =	swait.ge [sflag:s22], s20  }
0x9f: {  	s4 =	ssub.s32 $0x0, s20;
	[sflag:s22] =	ssyncset.done $0x0  }
0xa0: {  	[sflag:s22] =	ssyncadd.s32 s4;
	_ =	sdelay $0x1  }
0xa1: {  	s23 =	simm.s32 $0x1B8B  }
0xa2: {  	_ =	swait.ge [sflag:s23], $0x1  }
0xa3: {  	[sflag:s23] =	ssyncset.done $0x0  }
0xa4: {  	s25 =	simm.s32 $0x1B8E;
	s24 =	sld [smem:$0x3FFE];
	[sflag:s23] =	ssyncadd.s32 $0xFFFFFFFF  }
0xa5: {  	s26 =	simm.s32 $execute0_lowered;
	[smem:$0x3FD2] =	sst s25  }
0xa6: {  	s5 =	sshll.u32 s26, $0x1;
	_ =	strace $0x80000046;
	[dreg:$0x1] =	wrdreg $0xFFFFFFFF  }
0xa7: {  	s28 =	simm.s32 $_size_execute0_lowered;
	s3 =	sadd.s32 s3, s5;
	[dreg:$0x0] =	wrdreg $0x0  }
0xa8: {  	s5 =	sshll.u32 s28, $0x1;
	[dreg:$0x2] =	wrdreg s3  }
0xa9: {  	[dreg:$0x3] =	wrdreg s5  }
0xaa: {  	[dreg:$0x4] =	wrdreg $0xC0  }
0xab: {  	_ =	task [dreg:s7], $0x5FFFF  }
0xac: {  	[dreg:$0x1] =	wrdreg $0xFFFFFFFF  }
0xad: {  	[dreg:$0x0] =	wrdreg $0x60  }
0xae: {  	[dreg:$0x2] =	wrdreg s24  }
0xaf: {  	[dreg:$0x3] =	wrdreg s2  }
0xb0: {  	[dreg:$0x4] =	wrdreg $0x9  }
0xb1: {  	_ =	task.clear_ibuf [dreg:s7], $0x5FFFF;
	_ =	strace $0x90000046  }
0xb2: {  	s29 =	simm.s32 $0x9;
	_ =	strace $0x80000048  }
0xb3: {  	_ =	swait.ge [sflag:s29], $0x1  }
0xb4: {  	[sflag:s29] =	ssyncadd.s32 $0xFFFFFFFF  }
0xb5: {  	_ =	strace $0x90000048  }
0xb6: {  	_ =	sfence  }
0xb7: {  	s30 =	sld [smem:$0x0];
	_ =	sdelay $0x2  }
0xb8: {  	s31 =	sshll.u32 s1, $0xD;
	s1 =	sshrl.u32 s1, $0x2  }
0xb9: {  	s3 =	sand.u32 $0x4000, s31;
	s1 =	sadd.s32 s1, s30  }
0xba: {  	s0 =	sor.u32 s3, s0;
	s1 =	sshll.u32 s1, $0x11  }
0xbb: {  	s0 =	sor.u32 s1, s0  }
0xbc: {  	s0 =	sadd.s32 $0x8F2B, s0  }
0xbd: {  	[sflag:s0] =	ssyncadd.remote.s32 $0x1  }
0xbe: {  	_ =	sfence.sel $0xFFFF  }
0xbf: {  	[dreg:$0x0] =	wrdreg $0xFFFFFFFF;
	(pc) =	sbr.abs _section_cstart, $3  }
0xc0: {  	[dreg:$0x1] =	wrdreg $0xFFFFFFFF  }
0xc1: {  	_ =	task.clear_ibuf [dreg:s7], $0x2FFFF;
	_ =	strace $0x9FFFFFFF  }
0xc2: {  	(tm) =	ssettm $0x7FFFFFFF  }
0xc3: {  	_ =	shalt  }
tec
execute0_lowered:
.L_overlay_start_1:
0x0: {  	(tag) =	ssettag $0x1  }
0x1: {  	s3 =	rddreg [dreg:$0x0];
	s1 =	stileid.u32  }
0x2: {  	s2 =	srdreg.scid;
	s4 =	smul.u32 $0x6400, s1  }
0x3: {  	s8 =	rddreg [dreg:$0x1];
	s5 =	sand.u32 $0x1, s2;
	s7 =	smul.u32 $0x640, s1  }
0x4: {  	s0 =	rddreg [dreg:$0x2];
	s2 =	simm.s32 $0x0;
	s10 =	smul.u32 $0x320, s5  }
0x5: {  	s6 =	ssub.s32 $0x2, s5;
	[smem:$0x7FF] =	sst s2;
	s5 =	smul.u32 $0x3200, s5  }
0x6: {  	s9 =	sshrl.u32 s6, $0x1;
	_ =	strace $0x80000047;
	s31 =	sadd.s32 s4, s3  }
0x7: {  	s3 =	sadd.s32 $0x400, s3;
	s4 =	sshll.u32 s1, $0x1;
	s7 =	sadd.s32 s10, s7  }
0x8: {  	s6 =	ssub.s32 s6, s9;
	s9 =	sadd.s32 s5, s31;
	s10 =	sadd.s32 $0x61A80, s7  }
0x9: {  	s5 =	smax.u32 s6, $0x1;
	s7 =	sshrl.u32 s7, $0x3;
	s10 =	sshrl.u32 s10, $0x3  }
0xa: {  	s6 =	sadd.s32 $0xC3A00, s9;
	s7 =	sadd.s32 s7, s8;
	s8 =	sadd.s32 s10, s8  }
.LBB2_1:
0xb: {  	p0 =	sgt.u32 s4, $0x1F3  }
0xc: {  	s9 =	simm.s32 @!p0 $0x0;
	s10 =	simm.s32 @!p0 $0x4  }
0xd: {  	[tilespmem:s9], [sflag:$0x4] =	stream.linear.gather @!p0 [hbm4b:s7+s9], $0x320, $0x38;
	[tilespmem:$0x19640] =	vst v63  }
0xe: {  	_ =	swait.ge @!p0 [sflag:s10], $0x320  }
0xf: {  	[sflag:s10] =	ssyncset.done @!p0 $0x0;
	p0 =	por p0, p0  }
0x10: {  	[sflag:s10] =	ssyncadd.s32 @!p0 $0xFFFFFCE0;
	s11 =	simm.s32 @!p0 $0x320  }
0x11: {  	[tilespmem:s11], [sflag:$0x4] =	stream.linear.gather @!p0 [hbm4b:s8+s9], $0x320, $0x38;
	[tilespmem:$0x19640] =	vst v63  }
0x12: {  	_ =	swait.ge @!p0 [sflag:s10], $0x320  }
0x13: {  	[sflag:s10] =	ssyncset.done @!p0 $0x0  }
0x14: {  	s12 =	simm.s32 @!p0 $0x640;
	[sflag:s10] =	ssyncadd.s32 @!p0 $0xFFFFFCE0  }
0x15: {  	[tilespmem:s12], [sflag:$0x1] =	stream.indirect.gather @!p0 [hbm4b:s3+s11], $0x40, s9, s11, $0xb8;
	[tilespmem:$0x19640] =	vst v63  }
0x16: {  	s13 =	simm.s32 @!p0 $0xCE40;
	s9 =	simm.s32 @!p0 $0x1  }
0x17: {  	[tilespmem:s13], [sflag:$0x2] =	stream.indirect.gather @!p0 [hbm4b:s3+s11], $0x40, s11, s11, $0xb8;
	[tilespmem:$0x19640] =	vst v63  }
0x18: {  	_ =	swait.ge @!p0 [sflag:s9], $0xC800  }
0x19: {  	s15 =	simm.s32 @!p0 $0x80;
	[sflag:s9] =	ssyncset.done @!p0 $0x0  }
0x1a: {  	s14 =	sadd.s32 @!p0 $0x0, s6;
	s16 =	simm.s32 @!p0 $0x40;
	[sflag:s9] =	ssyncadd.s32 @!p0 $0xFFFF3800  }
0x1b: {  	[hbm4b:s14+s16] =	stream.strided.scatter @!p0 [tilespmem:s12], [sflag:$0x4], $0xC800, s15, s16, $0x38;
	[tilespmem:$0x19640] =	vst v63  }
0x1c: {  	_ =	swait.ge @!p0 [sflag:s10], $0xC800  }
0x1d: {  	[sflag:s10] =	ssyncset.done @!p0 $0x0  }
0x1e: {  	[sflag:s10] =	ssyncadd.s32 @!p0 $0xFFFF3800;
	s10 =	simm.s32 @!p0 $0x2  }
0x1f: {  	_ =	swait.ge @!p0 [sflag:s10], $0xC800  }
0x20: {  	s11 =	simm.s32 $0xC8000;
	s9 =	simm.s32 $0x64000;
	[sflag:s10] =	ssyncset.done @!p0 $0x0  }
0x21: {  	s12 =	sadd.s32 @!p0 $0x8, s14;
	s14 =	simm.s32 @!p0 $0x3;
	[sflag:s10] =	ssyncadd.s32 @!p0 $0xFFFF3800  }
0x22: {  	[hbm4b:s12+s16] =	stream.strided.scatter @!p0 [tilespmem:s13], [sflag:$0x3], $0xC800, s15, s16, $0x38;
	[tilespmem:$0x19640] =	vst v63  }
0x23: {  	s10 =	sadd.s32 $0xC80, s8;
	s13 =	sadd.s32 $0x20, s4;
	_ =	swait.ge @!p0 [sflag:s14], $0xC800  }
0x24: {  	s12 =	sadd.s32 $0xC80, s7;
	p2 =	sgt.u32 s13, $0x1F3;
	[sflag:s14] =	ssyncset.done @!p0 $0x0  }
.LBB2_2:
0x25: {  	s15 =	simm.s32 @!p2 $0x0;
	s16 =	simm.s32 @!p2 $0x4;
	[sflag:s14] =	ssyncadd.s32 @!p0 $0xFFFF3800  }
0x26: {  	[tilespmem:s15], [sflag:$0x4] =	stream.linear.gather @!p2 [hbm4b:s12+s15], $0x320, $0x38;
	[tilespmem:$0x19640] =	vst v63  }
0x27: {  	s14 =	smov.u32 s11;
	s11 =	sadd.s32 $0x64000, s11;
	_ =	swait.ge @!p2 [sflag:s16], $0x320  }
0x28: {  	p0 =	por p2, p2;
	p1 =	sne.s32 s11, $0x640000;
	[sflag:s16] =	ssyncset.done @!p2 $0x0  }
0x29: {  	s17 =	simm.s32 @!p0 $0x320;
	[sflag:s16] =	ssyncadd.s32 @!p0 $0xFFFFFCE0  }
0x2a: {  	[tilespmem:s17], [sflag:$0x4] =	stream.linear.gather @!p0 [hbm4b:s10+s15], $0x320, $0x38;
	[tilespmem:$0x19640] =	vst v63  }
0x2b: {  	_ =	swait.ge @!p0 [sflag:s16], $0x320  }
0x2c: {  	[sflag:s16] =	ssyncset.done @!p0 $0x0  }
0x2d: {  	s18 =	simm.s32 @!p0 $0x640;
	[sflag:s16] =	ssyncadd.s32 @!p0 $0xFFFFFCE0  }
0x2e: {  	[tilespmem:s18], [sflag:$0x1] =	stream.indirect.gather @!p0 [hbm4b:s3+s17], $0x40, s15, s17, $0xb8;
	[tilespmem:$0x19640] =	vst v63  }
0x2f: {  	s19 =	simm.s32 @!p0 $0x1;
	s15 =	simm.s32 @!p0 $0xCE40  }
0x30: {  	[tilespmem:s15], [sflag:$0x2] =	stream.indirect.gather @!p0 [hbm4b:s3+s17], $0x40, s17, s17, $0xb8;
	[tilespmem:$0x19640] =	vst v63  }
0x31: {  	_ =	swait.ge @!p0 [sflag:s19], $0xC800  }
0x32: {  	s17 =	simm.s32 @!p0 $0x80;
	[sflag:s19] =	ssyncset.done @!p0 $0x0  }
0x33: {  	s9 =	sadd.s32 @!p0 s9, s6;
	[sflag:s19] =	ssyncadd.s32 @!p0 $0xFFFF3800;
	s19 =	simm.s32 @!p0 $0x40  }
0x34: {  	[hbm4b:s9+s19] =	stream.strided.scatter @!p0 [tilespmem:s18], [sflag:$0x4], $0xC800, s17, s19, $0x38;
	[tilespmem:$0x19640] =	vst v63  }
0x35: {  	s18 =	sadd.s32 @!p0 $0x8, s9;
	s9 =	smov.u32 s14;
	_ =	swait.ge @!p0 [sflag:s16], $0xC800  }
0x36: {  	[sflag:s16] =	ssyncset.done @!p0 $0x0  }
0x37: {  	s14 =	simm.s32 @!p0 $0x2;
	[sflag:s16] =	ssyncadd.s32 @!p0 $0xFFFF3800  }
0x38: {  	_ =	swait.ge @!p0 [sflag:s14], $0xC800  }
.Ltmp0:
0x39: {  	[sflag:s14] =	ssyncset.done @!p0 $0x0;
	(pc) =	sbr.rel @p1 .LBB2_2-.Ltmp0, $4  }
0x3a: {  	[sflag:s14] =	ssyncadd.s32 @!p0 $0xFFFF3800;
	s14 =	simm.s32 @!p0 $0x3  }
0x3b: {  	[hbm4b:s18+s19] =	stream.strided.scatter @!p0 [tilespmem:s15], [sflag:$0x3], $0xC800, s17, s19, $0x38;
	[tilespmem:$0x19640] =	vst v63  }
0x3c: {  	s13 =	sadd.s32 $0x20, s13;
	s10 =	sadd.s32 $0xC80, s10;
	_ =	swait.ge @!p0 [sflag:s14], $0xC800  }
0x3d: {  	s12 =	sadd.s32 $0xC80, s12;
	p2 =	sgt.u32 s13, $0x1F3;
	[sflag:s14] =	ssyncset.done @!p0 $0x0  }
0x3e: {  	s11 =	simm.s32 @!p2 $0x0;
	s13 =	simm.s32 @!p2 $0x4;
	[sflag:s14] =	ssyncadd.s32 @!p0 $0xFFFF3800  }
0x3f: {  	[tilespmem:s11], [sflag:$0x4] =	stream.linear.gather @!p2 [hbm4b:s12+s11], $0x320, $0x38;
	[tilespmem:$0x19640] =	vst v63  }
0x40: {  	_ =	swait.ge @!p2 [sflag:s13], $0x320  }
0x41: {  	p0 =	por p2, p2;
	[sflag:s13] =	ssyncset.done @!p2 $0x0  }
0x42: {  	s12 =	simm.s32 @!p0 $0x320;
	[sflag:s13] =	ssyncadd.s32 @!p0 $0xFFFFFCE0  }
0x43: {  	[tilespmem:s12], [sflag:$0x4] =	stream.linear.gather @!p0 [hbm4b:s10+s11], $0x320, $0x38;
	[tilespmem:$0x19640] =	vst v63  }
0x44: {  	_ =	swait.ge @!p0 [sflag:s13], $0x320  }
0x45: {  	[sflag:s13] =	ssyncset.done @!p0 $0x0  }
0x46: {  	s10 =	simm.s32 @!p0 $0x640;
	[sflag:s13] =	ssyncadd.s32 @!p0 $0xFFFFFCE0  }
0x47: {  	[tilespmem:s10], [sflag:$0x1] =	stream.indirect.gather @!p0 [hbm4b:s3+s12], $0x40, s11, s12, $0xb8;
	[tilespmem:$0x19640] =	vst v63  }
0x48: {  	s14 =	simm.s32 @!p0 $0x1;
	s11 =	simm.s32 @!p0 $0xCE40  }
0x49: {  	[tilespmem:s11], [sflag:$0x2] =	stream.indirect.gather @!p0 [hbm4b:s3+s12], $0x40, s12, s12, $0xb8;
	[tilespmem:$0x19640] =	vst v63  }
0x4a: {  	_ =	swait.ge @!p0 [sflag:s14], $0xC800  }
0x4b: {  	s9 =	sadd.s32 @!p0 s9, s6;
	[sflag:s14] =	ssyncset.done @!p0 $0x0  }
0x4c: {  	s12 =	simm.s32 @!p0 $0x80;
	[sflag:s14] =	ssyncadd.s32 @!p0 $0xFFFF3800;
	s14 =	simm.s32 @!p0 $0x40  }
0x4d: {  	[hbm4b:s9+s14] =	stream.strided.scatter @!p0 [tilespmem:s10], [sflag:$0x4], $0xC800, s12, s14, $0x38;
	[tilespmem:$0x19640] =	vst v63  }
0x4e: {  	_ =	swait.ge @!p0 [sflag:s13], $0xC800  }
0x4f: {  	[sflag:s13] =	ssyncset.done @!p0 $0x0  }
0x50: {  	s10 =	simm.s32 @!p0 $0x2;
	[sflag:s13] =	ssyncadd.s32 @!p0 $0xFFFF3800  }
0x51: {  	s2 =	sadd.s32 $0x1, s2;
	_ =	swait.ge @!p0 [sflag:s10], $0xC800  }
0x52: {  	p1 =	sne.s32 s2, s5;
	s9 =	sadd.s32 @!p0 $0x8, s9;
	[sflag:s10] =	ssyncset.done @!p0 $0x0  }
.Ltmp1:
0x53: {  	[sflag:s10] =	ssyncadd.s32 @!p0 $0xFFFF3800;
	s10 =	simm.s32 @!p0 $0x3;
	(pc) =	sbr.rel @p1 .LBB2_1-.Ltmp1, $4  }
0x54: {  	[hbm4b:s9+s14] =	stream.strided.scatter @!p0 [tilespmem:s11], [sflag:$0x3], $0xC800, s12, s14, $0x38;
	[tilespmem:$0x19640] =	vst v63  }
0x55: {  	_ =	swait.ge @!p0 [sflag:s10], $0xC800  }
0x56: {  	[sflag:s10] =	ssyncset.done @!p0 $0x0  }
0x57: {  	[sflag:s10] =	ssyncadd.s32 @!p0 $0xFFFF3800  }
0x58: {  	_ =	sfence.sel $0x180000  }
0x59: {  	[bflag:$0x0] =	sbarrier.arrive $0xFFFF  }
0x5a: {  	p0 =	sne.s32 s1, $0x0;
	_ =	strace $0x90000047  }
0x5b: {  	s0 =	sadd.s32 @!p0 $0x100000, s0;
	[bflag:$0x2] =	sbarrier.arrive $0xFFFF  }
0x5c: {  	[sflag:s0] =	ssyncadd.tile.s32 @!p0 $0x1;
	_ =	shalt  }
.Lfunc_end2:
_tile_overlayer_lowered:
.L_overlay_start_2:
0x5d: {  	(tag) =	ssettag $0x2  }
0x5e: {  	s0 =	rddreg [dreg:$0x0];
	s2 =	stileid.u32  }
0x5f: {  	s1 =	rddreg [dreg:$0x1];
	p0 =	sne.s32 s2, $0x0  }
0x60: {  	s3 =	rddreg [dreg:$0x2];
	[bflag:$0x3] =	sbarrier.arrive $0xFFFF;
	s2 =	simm.s32 @!p0 $0x1C03  }
0x61: {  	[timem:s3], [sflag:s2] =	dma.local @!p0 [hbm:s0], s1  }
0x62: {  	s0 =	simm.s32 @!p0 $0x3  }
0x63: {  	_ =	swait.ge @!p0 [sflag:s0], s1  }
0x64: {  	s1 =	ssub.s32 @!p0 $0x0, s1;
	[sflag:s0] =	ssyncset.done @!p0 $0x0  }
0x65: {  	[sflag:s0] =	ssyncadd.s32 @!p0 s1  }
0x66: {  	[bflag:$0x3] =	sbarrier.arrive $0xFFFF  }
0x67: {  	_ =	shalt  }

</sc_bundles>
